<compile_context>
chip_gen: v7x
topology: tpu7x:2x2x1
jax: 0.10.2.dev20260603
libtpu: 0.0.44.dev20260713+nightly
codegen_flags: <defaults>
</compile_context>

<pallas_src>
import functools

import jax
import jax.numpy as jnp
from jax import lax
from jax.experimental import pallas as pl
from jax.experimental.pallas import tpu as pltpu
from jax.experimental.pallas import tpu_sc as plsc

VOCAB = 1000000
EMBED = 32
BATCH = 4096
SEQ = 200

NC = 2
NS = 16
NW = NC * NS
B_TOTAL = BATCH * SEQ
PER_W = B_TOTAL // NW
CHUNK = 1600
N_CHUNKS = PER_W // CHUNK
N_PAIRS = N_CHUNKS // 2
N_SUB = 4


@functools.partial(
    pl.kernel,
    out_type=jax.ShapeDtypeStruct((B_TOTAL, EMBED), jnp.float32),
    mesh=plsc.VectorSubcoreMesh(
        core_axis_name="c", subcore_axis_name="s",
        num_cores=NC, num_subcores=NS),
    scratch_types=[
        pltpu.VMEM((CHUNK,), jnp.int32),
        pltpu.VMEM((CHUNK,), jnp.int32),
        pltpu.VMEM((CHUNK, EMBED), jnp.float32),
        pltpu.VMEM((CHUNK, EMBED), jnp.float32),
        pltpu.SemaphoreType.DMA,
        pltpu.SemaphoreType.DMA,
        pltpu.SemaphoreType.DMA,
        pltpu.SemaphoreType.DMA,
        pltpu.SemaphoreType.DMA,
        pltpu.SemaphoreType.DMA,
    ],
    compiler_params=pltpu.CompilerParams(use_tc_tiling_on_sc=False),
)
def _gather_kernel(table_hbm, idx_hbm, out_hbm,
                   i0, i1, r0, r1, si0, si1, sg0, sg1, so0, so1):
    idx_v = [i0, i1]
    rows_v = [r0, r1]
    isem = [si0, si1]
    gsem = [sg0, sg1]
    osem = [so0, so1]

    wid = lax.axis_index("s") * NC + lax.axis_index("c")
    base = wid * PER_W

    def idx_start(c, p):
        pltpu.async_copy(idx_hbm.at[pl.ds(base + c * CHUNK, CHUNK)],
                         idx_v[p], isem[p])

    idx_start(0, 0)

    @pl.loop(0, N_PAIRS)
    def _pair(jj):
        for p in range(2):
            c = jj * 2 + p
            off = base + c * CHUNK
            pltpu.make_async_copy(
                idx_hbm.at[pl.ds(off, CHUNK)], idx_v[p], isem[p]).wait()

            @pl.when(jj > 0)
            def _():
                pltpu.make_async_copy(
                    rows_v[p],
                    out_hbm.at[pl.ds(off - 2 * CHUNK, CHUNK)],
                    osem[p]).wait()

            sub = CHUNK // N_SUB
            for q in range(N_SUB):
                pltpu.async_copy(
                    table_hbm.at[idx_v[p].at[pl.ds(q * sub, sub)]],
                    rows_v[p].at[pl.ds(q * sub, sub)],
                    gsem[p])

            if p == 0:
                idx_start(c + 1, 1)
            else:
                @pl.when(jj < N_PAIRS - 1)
                def _():
                    idx_start(c + 1, 0)

            for q in range(N_SUB):
                pltpu.make_async_copy(
                    table_hbm.at[idx_v[p].at[pl.ds(0, CHUNK // N_SUB)]],
                    rows_v[p].at[pl.ds(0, CHUNK // N_SUB)],
                    gsem[p]).wait()
            pltpu.async_copy(rows_v[p], out_hbm.at[pl.ds(off, CHUNK)],
                             osem[p])

    for p in range(2):
        c = N_CHUNKS - 2 + p
        pltpu.make_async_copy(
            rows_v[p], out_hbm.at[pl.ds(base + c * CHUNK, CHUNK)],
            osem[p]).wait()


def kernel(indices, table):
    flat = indices.reshape(B_TOTAL)
    out = _gather_kernel(table, flat)
    return out.reshape(BATCH, SEQ, EMBED)

# --- scband reference (transcript-rebuilt; emitter-appended) ---
"""Pipeline reference for scband-embedding-model-54649163874903 (READ-ONLY COPY).

The authoritative reference and input builder live on the scoring server;
editing this copy changes nothing except your own understanding.
"""

import jax, jax.numpy as jnp
import numpy as np

VOCAB = 1000000
EMBED = 32
PAD_IDX = 0
BATCH = 4096
SEQ = 200


def setup_inputs(seed: int = 0) -> dict:
    key = jax.random.key(seed)
    k1, k2 = jax.random.split(key)
    indices = jax.random.randint(k1, (BATCH, SEQ), 0, VOCAB, dtype=jnp.int32)
    # Embedding table (learned parameter); padding_idx row zeroed like nn.Embedding
    table = jax.random.normal(k2, (VOCAB, EMBED), dtype=jnp.float32) * 0.02
    table = table.at[PAD_IDX].set(0.0)
    return {"indices": indices, "table": table}


def reference(indices, table):
    # nn.Embedding with padding_idx: plain row gather (pad row is zero in table).
    emb = jnp.take(table, indices, axis=0)  # [B, L, E]
    # Dropout in eval mode is identity.
    return emb

if __name__ == "__main__":
    import jax
    _d = setup_inputs()
    print(jax.jit(kernel)(*tuple(_d.values())))

</pallas_src>

<mosaic_0001>
#map = affine_map<(d0, d1) -> (0, 0)>
#map1 = affine_map<(d0, d1) -> (0)>
module attributes {stable_mosaic.version = 14 : i64} {
  func.func @_gather_kernel(%arg0: i32, %arg1: i32, %arg2: memref<1000000x32xf32, #tpu.memory_space<hbm>>, %arg3: memref<819200xi32, #tpu.memory_space<hbm>>, %arg4: memref<819200x32xf32, #tpu.memory_space<hbm>>, %arg5: memref<1600xi32, #tpu.memory_space<vmem>>, %arg6: memref<1600xi32, #tpu.memory_space<vmem>>, %arg7: memref<1600x32xf32, #tpu.memory_space<vmem>>, %arg8: memref<1600x32xf32, #tpu.memory_space<vmem>>, %arg9: memref<!tpu.dma_semaphore, #tpu.memory_space<semaphore_mem>>, %arg10: memref<!tpu.dma_semaphore, #tpu.memory_space<semaphore_mem>>, %arg11: memref<!tpu.dma_semaphore, #tpu.memory_space<semaphore_mem>>, %arg12: memref<!tpu.dma_semaphore, #tpu.memory_space<semaphore_mem>>, %arg13: memref<!tpu.dma_semaphore, #tpu.memory_space<semaphore_mem>>, %arg14: memref<!tpu.dma_semaphore, #tpu.memory_space<semaphore_mem>>) attributes {dimension_semantics = [#tpu.dimension_semantics<core_parallel>, #tpu.dimension_semantics<subcore_parallel>], iteration_bounds = array<i64: 2, 16>, scalar_prefetch = 0 : i64, scratch_operands = 10 : i64, tpu.core_type = #tpu.core_type<sc_vector_subcore>, window_params = [{transform_indices = #map}, {transform_indices = #map1}, {transform_indices = #map}]} {
    %mul3A = arith.constant 2 : i32
    %mul3A_0 = arith.muli %arg1, %mul3A : i32
    %add3A = arith.addi %mul3A_0, %arg0 : i32
    %mul3A_1 = arith.constant 25600 : i32
    %mul3A_2 = arith.muli %add3A, %mul3A_1 : i32
    %add3A_3 = arith.constant 0 : i32
    %add3A_4 = arith.addi %mul3A_2, %add3A_3 : i32
    %dma_start3A = tpu.memref_slice %arg3[%add3A_4] : memref<819200xi32, #tpu.memory_space<hbm>> -> memref<1600xi32, #tpu.memory_space<hbm>>
    %dma_start3A_5 = tpu.memref_slice %arg3[%add3A_4] : memref<819200xi32, #tpu.memory_space<hbm>> -> memref<1600xi32, #tpu.memory_space<hbm>>
    tpu.enqueue_dma source(%dma_start3A_5 : memref<1600xi32, #tpu.memory_space<hbm>>) target(%arg5 : memref<1600xi32, #tpu.memory_space<vmem>>) target_semaphore(%arg9 : memref<!tpu.dma_semaphore, #tpu.memory_space<semaphore_mem>>)
    %scan3A = arith.constant 0 : i32
    %scan3A_6 = arith.constant 8 : i32
    %scan3A_7 = arith.addi %scan3A, %scan3A_6 : i32
    %scan3A_8 = arith.constant 1 : i32
    scf.for %scan3A_21 = %scan3A to %scan3A_7 step %scan3A_8  : i32 {
      %mul3A_22 = arith.constant 1 : i32
      %mul3A_23 = arith.muli %scan3A_21, %mul3A_22 : i32
      %add3A_24 = arith.constant 0 : i32
      %add3A_25 = arith.addi %add3A_24, %mul3A_23 : i32
      %mul3A_26 = arith.constant 2 : i32
      %mul3A_27 = arith.muli %add3A_25, %mul3A_26 : i32
      %add3A_28 = arith.constant 0 : i32
      %add3A_29 = arith.addi %mul3A_27, %add3A_28 : i32
      %mul3A_30 = arith.constant 1600 : i32
      %mul3A_31 = arith.muli %add3A_29, %mul3A_30 : i32
      %add3A_32 = arith.addi %mul3A_2, %mul3A_31 : i32
      %dma_wait3A_33 = tpu.memref_slice %arg3[%add3A_32] : memref<819200xi32, #tpu.memory_space<hbm>> -> memref<1600xi32, #tpu.memory_space<hbm>>
      %dma_wait3A_34 = tpu.memref_slice %arg3[%add3A_32] : memref<819200xi32, #tpu.memory_space<hbm>> -> memref<1600xi32, #tpu.memory_space<hbm>>
      tpu.wait_dma2 semaphore(%arg9 : memref<!tpu.dma_semaphore, #tpu.memory_space<semaphore_mem>>) src(%dma_wait3A_34 : memref<1600xi32, #tpu.memory_space<hbm>>) dst(%arg5 : memref<1600xi32, #tpu.memory_space<vmem>>)
      %gt3A = arith.constant 0 : i32
      %gt3A_35 = arith.cmpi sgt, %add3A_25, %gt3A : i32
      %convert_element_type3A = arith.extui %gt3A_35 : i1 to i32
      %cond3A = arith.constant 0 : i32
      %cond3A_36 = arith.cmpi ne, %convert_element_type3A, %cond3A : i32
      scf.if %cond3A_36 {
        %sub3A = arith.constant 3200 : i32
        %sub3A_198 = arith.subi %add3A_32, %sub3A : i32
        %dma_wait3A_199 = arith.constant 0 : i32
        %dma_wait3A_200 = tpu.memref_slice %arg4[%sub3A_198, %dma_wait3A_199] : memref<819200x32xf32, #tpu.memory_space<hbm>> -> memref<1600x32xf32, #tpu.memory_space<hbm>>
        %dma_wait3A_201 = arith.constant 0 : i32
        %dma_wait3A_202 = tpu.memref_slice %arg4[%sub3A_198, %dma_wait3A_201] : memref<819200x32xf32, #tpu.memory_space<hbm>> -> memref<1600x32xf32, #tpu.memory_space<hbm>>
        tpu.wait_dma2 semaphore(%arg13 : memref<!tpu.dma_semaphore, #tpu.memory_space<semaphore_mem>>) src(%arg7 : memref<1600x32xf32, #tpu.memory_space<vmem>>) dst(%dma_wait3A_202 : memref<1600x32xf32, #tpu.memory_space<hbm>>)
      } else {
      }
      %dma_start3A_37 = arith.constant 0 : i32
      %dma_start3A_38 = arith.constant 0 : i32
      %dma_start3A_39 = tpu.memref_slice %arg7[%dma_start3A_37, %dma_start3A_38] : memref<1600x32xf32, #tpu.memory_space<vmem>> -> memref<400x32xf32, #tpu.memory_space<vmem>>
      %dma_start3A_40 = arith.constant 0 : i32
      %dma_start3A_41 = tpu.memref_slice %arg5[%dma_start3A_40] : memref<1600xi32, #tpu.memory_space<vmem>> -> memref<400xi32, #tpu.memory_space<vmem>>
      %dma_start3A_42 = arith.constant 0 : i32
      %dma_start3A_43 = arith.constant 0 : i32
      %dma_start3A_44 = tpu.memref_slice %arg2[%dma_start3A_42, %dma_start3A_43] : memref<1000000x32xf32, #tpu.memory_space<hbm>> -> memref<1000000x32xf32, #tpu.memory_space<hbm>>
      tpu.enqueue_indirect_dma source(%dma_start3A_44 : memref<1000000x32xf32, #tpu.memory_space<hbm>>) target(%dma_start3A_39 : memref<400x32xf32, #tpu.memory_space<vmem>>) offsets(%dma_start3A_41 : memref<400xi32, #tpu.memory_space<vmem>>) semaphore(%arg11 : memref<!tpu.dma_semaphore, #tpu.memory_space<semaphore_mem>>)
      %dma_start3A_45 = arith.constant 400 : i32
      %dma_start3A_46 = arith.constant 0 : i32
      %dma_start3A_47 = tpu.memref_slice %arg7[%dma_start3A_45, %dma_start3A_46] : memref<1600x32xf32, #tpu.memory_space<vmem>> -> memref<400x32xf32, #tpu.memory_space<vmem>>
      %dma_start3A_48 = arith.constant 400 : i32
      %dma_start3A_49 = tpu.memref_slice %arg5[%dma_start3A_48] : memref<1600xi32, #tpu.memory_space<vmem>> -> memref<400xi32, #tpu.memory_space<vmem>>
      %dma_start3A_50 = arith.constant 0 : i32
      %dma_start3A_51 = arith.constant 0 : i32
      %dma_start3A_52 = tpu.memref_slice %arg2[%dma_start3A_50, %dma_start3A_51] : memref<1000000x32xf32, #tpu.memory_space<hbm>> -> memref<1000000x32xf32, #tpu.memory_space<hbm>>
      tpu.enqueue_indirect_dma source(%dma_start3A_52 : memref<1000000x32xf32, #tpu.memory_space<hbm>>) target(%dma_start3A_47 : memref<400x32xf32, #tpu.memory_space<vmem>>) offsets(%dma_start3A_49 : memref<400xi32, #tpu.memory_space<vmem>>) semaphore(%arg11 : memref<!tpu.dma_semaphore, #tpu.memory_space<semaphore_mem>>)
      %dma_start3A_53 = arith.constant 800 : i32
      %dma_start3A_54 = arith.constant 0 : i32
      %dma_start3A_55 = tpu.memref_slice %arg7[%dma_start3A_53, %dma_start3A_54] : memref<1600x32xf32, #tpu.memory_space<vmem>> -> memref<400x32xf32, #tpu.memory_space<vmem>>
      %dma_start3A_56 = arith.constant 800 : i32
      %dma_start3A_57 = tpu.memref_slice %arg5[%dma_start3A_56] : memref<1600xi32, #tpu.memory_space<vmem>> -> memref<400xi32, #tpu.memory_space<vmem>>
      %dma_start3A_58 = arith.constant 0 : i32
      %dma_start3A_59 = arith.constant 0 : i32
      %dma_start3A_60 = tpu.memref_slice %arg2[%dma_start3A_58, %dma_start3A_59] : memref<1000000x32xf32, #tpu.memory_space<hbm>> -> memref<1000000x32xf32, #tpu.memory_space<hbm>>
      tpu.enqueue_indirect_dma source(%dma_start3A_60 : memref<1000000x32xf32, #tpu.memory_space<hbm>>) target(%dma_start3A_55 : memref<400x32xf32, #tpu.memory_space<vmem>>) offsets(%dma_start3A_57 : memref<400xi32, #tpu.memory_space<vmem>>) semaphore(%arg11 : memref<!tpu.dma_semaphore, #tpu.memory_space<semaphore_mem>>)
      %dma_start3A_61 = arith.constant 1200 : i32
      %dma_start3A_62 = arith.constant 0 : i32
      %dma_start3A_63 = tpu.memref_slice %arg7[%dma_start3A_61, %dma_start3A_62] : memref<1600x32xf32, #tpu.memory_space<vmem>> -> memref<400x32xf32, #tpu.memory_space<vmem>>
      %dma_start3A_64 = arith.constant 1200 : i32
      %dma_start3A_65 = tpu.memref_slice %arg5[%dma_start3A_64] : memref<1600xi32, #tpu.memory_space<vmem>> -> memref<400xi32, #tpu.memory_space<vmem>>
      %dma_start3A_66 = arith.constant 0 : i32
      %dma_start3A_67 = arith.constant 0 : i32
      %dma_start3A_68 = tpu.memref_slice %arg2[%dma_start3A_66, %dma_start3A_67] : memref<1000000x32xf32, #tpu.memory_space<hbm>> -> memref<1000000x32xf32, #tpu.memory_space<hbm>>
      tpu.enqueue_indirect_dma source(%dma_start3A_68 : memref<1000000x32xf32, #tpu.memory_space<hbm>>) target(%dma_start3A_63 : memref<400x32xf32, #tpu.memory_space<vmem>>) offsets(%dma_start3A_65 : memref<400xi32, #tpu.memory_space<vmem>>) semaphore(%arg11 : memref<!tpu.dma_semaphore, #tpu.memory_space<semaphore_mem>>)
      %add3A_69 = arith.constant 1 : i32
      %add3A_70 = arith.addi %add3A_29, %add3A_69 : i32
      %mul3A_71 = arith.constant 1600 : i32
      %mul3A_72 = arith.muli %add3A_70, %mul3A_71 : i32
      %add3A_73 = arith.addi %mul3A_2, %mul3A_72 : i32
      %dma_start3A_74 = tpu.memref_slice %arg3[%add3A_73] : memref<819200xi32, #tpu.memory_space<hbm>> -> memref<1600xi32, #tpu.memory_space<hbm>>
      %dma_start3A_75 = tpu.memref_slice %arg3[%add3A_73] : memref<819200xi32, #tpu.memory_space<hbm>> -> memref<1600xi32, #tpu.memory_space<hbm>>
      tpu.enqueue_dma source(%dma_start3A_75 : memref<1600xi32, #tpu.memory_space<hbm>>) target(%arg6 : memref<1600xi32, #tpu.memory_space<vmem>>) target_semaphore(%arg10 : memref<!tpu.dma_semaphore, #tpu.memory_space<semaphore_mem>>)
      %dma_wait3A_76 = arith.constant 0 : i32
      %dma_wait3A_77 = arith.constant 0 : i32
      %dma_wait3A_78 = tpu.memref_slice %arg7[%dma_wait3A_76, %dma_wait3A_77] : memref<1600x32xf32, #tpu.memory_space<vmem>> -> memref<400x32xf32, #tpu.memory_space<vmem>>
      %dma_wait3A_79 = arith.constant 0 : i32
      %dma_wait3A_80 = tpu.memref_slice %arg5[%dma_wait3A_79] : memref<1600xi32, #tpu.memory_space<vmem>> -> memref<400xi32, #tpu.memory_space<vmem>>
      %dma_wait3A_81 = arith.constant 0 : i32
      %dma_wait3A_82 = arith.constant 0 : i32
      %dma_wait3A_83 = tpu.memref_slice %arg2[%dma_wait3A_81, %dma_wait3A_82] : memref<1000000x32xf32, #tpu.memory_space<hbm>> -> memref<1000000x32xf32, #tpu.memory_space<hbm>>
      tpu.wait_indirect_dma semaphore(%arg11 : memref<!tpu.dma_semaphore, #tpu.memory_space<semaphore_mem>>) src(%dma_wait3A_83 : memref<1000000x32xf32, #tpu.memory_space<hbm>>) dst(%dma_wait3A_78 : memref<400x32xf32, #tpu.memory_space<vmem>>)
      %dma_wait3A_84 = arith.constant 0 : i32
      %dma_wait3A_85 = arith.constant 0 : i32
      %dma_wait3A_86 = tpu.memref_slice %arg7[%dma_wait3A_84, %dma_wait3A_85] : memref<1600x32xf32, #tpu.memory_space<vmem>> -> memref<400x32xf32, #tpu.memory_space<vmem>>
      %dma_wait3A_87 = arith.constant 0 : i32
      %dma_wait3A_88 = tpu.memref_slice %arg5[%dma_wait3A_87] : memref<1600xi32, #tpu.memory_space<vmem>> -> memref<400xi32, #tpu.memory_space<vmem>>
      %dma_wait3A_89 = arith.constant 0 : i32
      %dma_wait3A_90 = arith.constant 0 : i32
      %dma_wait3A_91 = tpu.memref_slice %arg2[%dma_wait3A_89, %dma_wait3A_90] : memref<1000000x32xf32, #tpu.memory_space<hbm>> -> memref<1000000x32xf32, #tpu.memory_space<hbm>>
      tpu.wait_indirect_dma semaphore(%arg11 : memref<!tpu.dma_semaphore, #tpu.memory_space<semaphore_mem>>) src(%dma_wait3A_91 : memref<1000000x32xf32, #tpu.memory_space<hbm>>) dst(%dma_wait3A_86 : memref<400x32xf32, #tpu.memory_space<vmem>>)
      %dma_wait3A_92 = arith.constant 0 : i32
      %dma_wait3A_93 = arith.constant 0 : i32
      %dma_wait3A_94 = tpu.memref_slice %arg7[%dma_wait3A_92, %dma_wait3A_93] : memref<1600x32xf32, #tpu.memory_space<vmem>> -> memref<400x32xf32, #tpu.memory_space<vmem>>
      %dma_wait3A_95 = arith.constant 0 : i32
      %dma_wait3A_96 = tpu.memref_slice %arg5[%dma_wait3A_95] : memref<1600xi32, #tpu.memory_space<vmem>> -> memref<400xi32, #tpu.memory_space<vmem>>
      %dma_wait3A_97 = arith.constant 0 : i32
      %dma_wait3A_98 = arith.constant 0 : i32
      %dma_wait3A_99 = tpu.memref_slice %arg2[%dma_wait3A_97, %dma_wait3A_98] : memref<1000000x32xf32, #tpu.memory_space<hbm>> -> memref<1000000x32xf32, #tpu.memory_space<hbm>>
      tpu.wait_indirect_dma semaphore(%arg11 : memref<!tpu.dma_semaphore, #tpu.memory_space<semaphore_mem>>) src(%dma_wait3A_99 : memref<1000000x32xf32, #tpu.memory_space<hbm>>) dst(%dma_wait3A_94 : memref<400x32xf32, #tpu.memory_space<vmem>>)
      %dma_wait3A_100 = arith.constant 0 : i32
      %dma_wait3A_101 = arith.constant 0 : i32
      %dma_wait3A_102 = tpu.memref_slice %arg7[%dma_wait3A_100, %dma_wait3A_101] : memref<1600x32xf32, #tpu.memory_space<vmem>> -> memref<400x32xf32, #tpu.memory_space<vmem>>
      %dma_wait3A_103 = arith.constant 0 : i32
      %dma_wait3A_104 = tpu.memref_slice %arg5[%dma_wait3A_103] : memref<1600xi32, #tpu.memory_space<vmem>> -> memref<400xi32, #tpu.memory_space<vmem>>
      %dma_wait3A_105 = arith.constant 0 : i32
      %dma_wait3A_106 = arith.constant 0 : i32
      %dma_wait3A_107 = tpu.memref_slice %arg2[%dma_wait3A_105, %dma_wait3A_106] : memref<1000000x32xf32, #tpu.memory_space<hbm>> -> memref<1000000x32xf32, #tpu.memory_space<hbm>>
      tpu.wait_indirect_dma semaphore(%arg11 : memref<!tpu.dma_semaphore, #tpu.memory_space<semaphore_mem>>) src(%dma_wait3A_107 : memref<1000000x32xf32, #tpu.memory_space<hbm>>) dst(%dma_wait3A_102 : memref<400x32xf32, #tpu.memory_space<vmem>>)
      %dma_start3A_108 = arith.constant 0 : i32
      %dma_start3A_109 = tpu.memref_slice %arg4[%add3A_32, %dma_start3A_108] : memref<819200x32xf32, #tpu.memory_space<hbm>> -> memref<1600x32xf32, #tpu.memory_space<hbm>>
      %dma_start3A_110 = arith.constant 0 : i32
      %dma_start3A_111 = tpu.memref_slice %arg4[%add3A_32, %dma_start3A_110] : memref<819200x32xf32, #tpu.memory_space<hbm>> -> memref<1600x32xf32, #tpu.memory_space<hbm>>
      tpu.enqueue_dma source(%arg7 : memref<1600x32xf32, #tpu.memory_space<vmem>>) target(%dma_start3A_111 : memref<1600x32xf32, #tpu.memory_space<hbm>>) target_semaphore(%arg13 : memref<!tpu.dma_semaphore, #tpu.memory_space<semaphore_mem>>)
      %mul3A_112 = arith.constant 2 : i32
      %mul3A_113 = arith.muli %add3A_25, %mul3A_112 : i32
      %add3A_114 = arith.constant 1 : i32
      %add3A_115 = arith.addi %mul3A_113, %add3A_114 : i32
      %mul3A_116 = arith.constant 1600 : i32
      %mul3A_117 = arith.muli %add3A_115, %mul3A_116 : i32
      %add3A_118 = arith.addi %mul3A_2, %mul3A_117 : i32
      %dma_wait3A_119 = tpu.memref_slice %arg3[%add3A_118] : memref<819200xi32, #tpu.memory_space<hbm>> -> memref<1600xi32, #tpu.memory_space<hbm>>
      %dma_wait3A_120 = tpu.memref_slice %arg3[%add3A_118] : memref<819200xi32, #tpu.memory_space<hbm>> -> memref<1600xi32, #tpu.memory_space<hbm>>
      tpu.wait_dma2 semaphore(%arg10 : memref<!tpu.dma_semaphore, #tpu.memory_space<semaphore_mem>>) src(%dma_wait3A_120 : memref<1600xi32, #tpu.memory_space<hbm>>) dst(%arg6 : memref<1600xi32, #tpu.memory_space<vmem>>)
      %gt3A_121 = arith.constant 0 : i32
      %gt3A_122 = arith.cmpi sgt, %add3A_25, %gt3A_121 : i32
      %convert_element_type3A_123 = arith.extui %gt3A_122 : i1 to i32
      %cond3A_124 = arith.constant 0 : i32
      %cond3A_125 = arith.cmpi ne, %convert_element_type3A_123, %cond3A_124 : i32
      scf.if %cond3A_125 {
        %sub3A = arith.constant 3200 : i32
        %sub3A_198 = arith.subi %add3A_118, %sub3A : i32
        %dma_wait3A_199 = arith.constant 0 : i32
        %dma_wait3A_200 = tpu.memref_slice %arg4[%sub3A_198, %dma_wait3A_199] : memref<819200x32xf32, #tpu.memory_space<hbm>> -> memref<1600x32xf32, #tpu.memory_space<hbm>>
        %dma_wait3A_201 = arith.constant 0 : i32
        %dma_wait3A_202 = tpu.memref_slice %arg4[%sub3A_198, %dma_wait3A_201] : memref<819200x32xf32, #tpu.memory_space<hbm>> -> memref<1600x32xf32, #tpu.memory_space<hbm>>
        tpu.wait_dma2 semaphore(%arg14 : memref<!tpu.dma_semaphore, #tpu.memory_space<semaphore_mem>>) src(%arg8 : memref<1600x32xf32, #tpu.memory_space<vmem>>) dst(%dma_wait3A_202 : memref<1600x32xf32, #tpu.memory_space<hbm>>)
      } else {
      }
      %dma_start3A_126 = arith.constant 0 : i32
      %dma_start3A_127 = arith.constant 0 : i32
      %dma_start3A_128 = tpu.memref_slice %arg8[%dma_start3A_126, %dma_start3A_127] : memref<1600x32xf32, #tpu.memory_space<vmem>> -> memref<400x32xf32, #tpu.memory_space<vmem>>
      %dma_start3A_129 = arith.constant 0 : i32
      %dma_start3A_130 = tpu.memref_slice %arg6[%dma_start3A_129] : memref<1600xi32, #tpu.memory_space<vmem>> -> memref<400xi32, #tpu.memory_space<vmem>>
      %dma_start3A_131 = arith.constant 0 : i32
      %dma_start3A_132 = arith.constant 0 : i32
      %dma_start3A_133 = tpu.memref_slice %arg2[%dma_start3A_131, %dma_start3A_132] : memref<1000000x32xf32, #tpu.memory_space<hbm>> -> memref<1000000x32xf32, #tpu.memory_space<hbm>>
      tpu.enqueue_indirect_dma source(%dma_start3A_133 : memref<1000000x32xf32, #tpu.memory_space<hbm>>) target(%dma_start3A_128 : memref<400x32xf32, #tpu.memory_space<vmem>>) offsets(%dma_start3A_130 : memref<400xi32, #tpu.memory_space<vmem>>) semaphore(%arg12 : memref<!tpu.dma_semaphore, #tpu.memory_space<semaphore_mem>>)
      %dma_start3A_134 = arith.constant 400 : i32
      %dma_start3A_135 = arith.constant 0 : i32
      %dma_start3A_136 = tpu.memref_slice %arg8[%dma_start3A_134, %dma_start3A_135] : memref<1600x32xf32, #tpu.memory_space<vmem>> -> memref<400x32xf32, #tpu.memory_space<vmem>>
      %dma_start3A_137 = arith.constant 400 : i32
      %dma_start3A_138 = tpu.memref_slice %arg6[%dma_start3A_137] : memref<1600xi32, #tpu.memory_space<vmem>> -> memref<400xi32, #tpu.memory_space<vmem>>
      %dma_start3A_139 = arith.constant 0 : i32
      %dma_start3A_140 = arith.constant 0 : i32
      %dma_start3A_141 = tpu.memref_slice %arg2[%dma_start3A_139, %dma_start3A_140] : memref<1000000x32xf32, #tpu.memory_space<hbm>> -> memref<1000000x32xf32, #tpu.memory_space<hbm>>
      tpu.enqueue_indirect_dma source(%dma_start3A_141 : memref<1000000x32xf32, #tpu.memory_space<hbm>>) target(%dma_start3A_136 : memref<400x32xf32, #tpu.memory_space<vmem>>) offsets(%dma_start3A_138 : memref<400xi32, #tpu.memory_space<vmem>>) semaphore(%arg12 : memref<!tpu.dma_semaphore, #tpu.memory_space<semaphore_mem>>)
      %dma_start3A_142 = arith.constant 800 : i32
      %dma_start3A_143 = arith.constant 0 : i32
      %dma_start3A_144 = tpu.memref_slice %arg8[%dma_start3A_142, %dma_start3A_143] : memref<1600x32xf32, #tpu.memory_space<vmem>> -> memref<400x32xf32, #tpu.memory_space<vmem>>
      %dma_start3A_145 = arith.constant 800 : i32
      %dma_start3A_146 = tpu.memref_slice %arg6[%dma_start3A_145] : memref<1600xi32, #tpu.memory_space<vmem>> -> memref<400xi32, #tpu.memory_space<vmem>>
      %dma_start3A_147 = arith.constant 0 : i32
      %dma_start3A_148 = arith.constant 0 : i32
      %dma_start3A_149 = tpu.memref_slice %arg2[%dma_start3A_147, %dma_start3A_148] : memref<1000000x32xf32, #tpu.memory_space<hbm>> -> memref<1000000x32xf32, #tpu.memory_space<hbm>>
      tpu.enqueue_indirect_dma source(%dma_start3A_149 : memref<1000000x32xf32, #tpu.memory_space<hbm>>) target(%dma_start3A_144 : memref<400x32xf32, #tpu.memory_space<vmem>>) offsets(%dma_start3A_146 : memref<400xi32, #tpu.memory_space<vmem>>) semaphore(%arg12 : memref<!tpu.dma_semaphore, #tpu.memory_space<semaphore_mem>>)
      %dma_start3A_150 = arith.constant 1200 : i32
      %dma_start3A_151 = arith.constant 0 : i32
      %dma_start3A_152 = tpu.memref_slice %arg8[%dma_start3A_150, %dma_start3A_151] : memref<1600x32xf32, #tpu.memory_space<vmem>> -> memref<400x32xf32, #tpu.memory_space<vmem>>
      %dma_start3A_153 = arith.constant 1200 : i32
      %dma_start3A_154 = tpu.memref_slice %arg6[%dma_start3A_153] : memref<1600xi32, #tpu.memory_space<vmem>> -> memref<400xi32, #tpu.memory_space<vmem>>
      %dma_start3A_155 = arith.constant 0 : i32
      %dma_start3A_156 = arith.constant 0 : i32
      %dma_start3A_157 = tpu.memref_slice %arg2[%dma_start3A_155, %dma_start3A_156] : memref<1000000x32xf32, #tpu.memory_space<hbm>> -> memref<1000000x32xf32, #tpu.memory_space<hbm>>
      tpu.enqueue_indirect_dma source(%dma_start3A_157 : memref<1000000x32xf32, #tpu.memory_space<hbm>>) target(%dma_start3A_152 : memref<400x32xf32, #tpu.memory_space<vmem>>) offsets(%dma_start3A_154 : memref<400xi32, #tpu.memory_space<vmem>>) semaphore(%arg12 : memref<!tpu.dma_semaphore, #tpu.memory_space<semaphore_mem>>)
      %lt3A = arith.constant 7 : i32
      %lt3A_158 = arith.cmpi slt, %add3A_25, %lt3A : i32
      %convert_element_type3A_159 = arith.extui %lt3A_158 : i1 to i32
      %cond3A_160 = arith.constant 0 : i32
      %cond3A_161 = arith.cmpi ne, %convert_element_type3A_159, %cond3A_160 : i32
      scf.if %cond3A_161 {
        %add3A_198 = arith.constant 1 : i32
        %add3A_199 = arith.addi %add3A_115, %add3A_198 : i32
        %mul3A_200 = arith.constant 1600 : i32
        %mul3A_201 = arith.muli %add3A_199, %mul3A_200 : i32
        %add3A_202 = arith.addi %mul3A_2, %mul3A_201 : i32
        %dma_start3A_203 = tpu.memref_slice %arg3[%add3A_202] : memref<819200xi32, #tpu.memory_space<hbm>> -> memref<1600xi32, #tpu.memory_space<hbm>>
        %dma_start3A_204 = tpu.memref_slice %arg3[%add3A_202] : memref<819200xi32, #tpu.memory_space<hbm>> -> memref<1600xi32, #tpu.memory_space<hbm>>
        tpu.enqueue_dma source(%dma_start3A_204 : memref<1600xi32, #tpu.memory_space<hbm>>) target(%arg5 : memref<1600xi32, #tpu.memory_space<vmem>>) target_semaphore(%arg9 : memref<!tpu.dma_semaphore, #tpu.memory_space<semaphore_mem>>)
      } else {
      }
      %dma_wait3A_162 = arith.constant 0 : i32
      %dma_wait3A_163 = arith.constant 0 : i32
      %dma_wait3A_164 = tpu.memref_slice %arg8[%dma_wait3A_162, %dma_wait3A_163] : memref<1600x32xf32, #tpu.memory_space<vmem>> -> memref<400x32xf32, #tpu.memory_space<vmem>>
      %dma_wait3A_165 = arith.constant 0 : i32
      %dma_wait3A_166 = tpu.memref_slice %arg6[%dma_wait3A_165] : memref<1600xi32, #tpu.memory_space<vmem>> -> memref<400xi32, #tpu.memory_space<vmem>>
      %dma_wait3A_167 = arith.constant 0 : i32
      %dma_wait3A_168 = arith.constant 0 : i32
      %dma_wait3A_169 = tpu.memref_slice %arg2[%dma_wait3A_167, %dma_wait3A_168] : memref<1000000x32xf32, #tpu.memory_space<hbm>> -> memref<1000000x32xf32, #tpu.memory_space<hbm>>
      tpu.wait_indirect_dma semaphore(%arg12 : memref<!tpu.dma_semaphore, #tpu.memory_space<semaphore_mem>>) src(%dma_wait3A_169 : memref<1000000x32xf32, #tpu.memory_space<hbm>>) dst(%dma_wait3A_164 : memref<400x32xf32, #tpu.memory_space<vmem>>)
      %dma_wait3A_170 = arith.constant 0 : i32
      %dma_wait3A_171 = arith.constant 0 : i32
      %dma_wait3A_172 = tpu.memref_slice %arg8[%dma_wait3A_170, %dma_wait3A_171] : memref<1600x32xf32, #tpu.memory_space<vmem>> -> memref<400x32xf32, #tpu.memory_space<vmem>>
      %dma_wait3A_173 = arith.constant 0 : i32
      %dma_wait3A_174 = tpu.memref_slice %arg6[%dma_wait3A_173] : memref<1600xi32, #tpu.memory_space<vmem>> -> memref<400xi32, #tpu.memory_space<vmem>>
      %dma_wait3A_175 = arith.constant 0 : i32
      %dma_wait3A_176 = arith.constant 0 : i32
      %dma_wait3A_177 = tpu.memref_slice %arg2[%dma_wait3A_175, %dma_wait3A_176] : memref<1000000x32xf32, #tpu.memory_space<hbm>> -> memref<1000000x32xf32, #tpu.memory_space<hbm>>
      tpu.wait_indirect_dma semaphore(%arg12 : memref<!tpu.dma_semaphore, #tpu.memory_space<semaphore_mem>>) src(%dma_wait3A_177 : memref<1000000x32xf32, #tpu.memory_space<hbm>>) dst(%dma_wait3A_172 : memref<400x32xf32, #tpu.memory_space<vmem>>)
      %dma_wait3A_178 = arith.constant 0 : i32
      %dma_wait3A_179 = arith.constant 0 : i32
      %dma_wait3A_180 = tpu.memref_slice %arg8[%dma_wait3A_178, %dma_wait3A_179] : memref<1600x32xf32, #tpu.memory_space<vmem>> -> memref<400x32xf32, #tpu.memory_space<vmem>>
      %dma_wait3A_181 = arith.constant 0 : i32
      %dma_wait3A_182 = tpu.memref_slice %arg6[%dma_wait3A_181] : memref<1600xi32, #tpu.memory_space<vmem>> -> memref<400xi32, #tpu.memory_space<vmem>>
      %dma_wait3A_183 = arith.constant 0 : i32
      %dma_wait3A_184 = arith.constant 0 : i32
      %dma_wait3A_185 = tpu.memref_slice %arg2[%dma_wait3A_183, %dma_wait3A_184] : memref<1000000x32xf32, #tpu.memory_space<hbm>> -> memref<1000000x32xf32, #tpu.memory_space<hbm>>
      tpu.wait_indirect_dma semaphore(%arg12 : memref<!tpu.dma_semaphore, #tpu.memory_space<semaphore_mem>>) src(%dma_wait3A_185 : memref<1000000x32xf32, #tpu.memory_space<hbm>>) dst(%dma_wait3A_180 : memref<400x32xf32, #tpu.memory_space<vmem>>)
      %dma_wait3A_186 = arith.constant 0 : i32
      %dma_wait3A_187 = arith.constant 0 : i32
      %dma_wait3A_188 = tpu.memref_slice %arg8[%dma_wait3A_186, %dma_wait3A_187] : memref<1600x32xf32, #tpu.memory_space<vmem>> -> memref<400x32xf32, #tpu.memory_space<vmem>>
      %dma_wait3A_189 = arith.constant 0 : i32
      %dma_wait3A_190 = tpu.memref_slice %arg6[%dma_wait3A_189] : memref<1600xi32, #tpu.memory_space<vmem>> -> memref<400xi32, #tpu.memory_space<vmem>>
      %dma_wait3A_191 = arith.constant 0 : i32
      %dma_wait3A_192 = arith.constant 0 : i32
      %dma_wait3A_193 = tpu.memref_slice %arg2[%dma_wait3A_191, %dma_wait3A_192] : memref<1000000x32xf32, #tpu.memory_space<hbm>> -> memref<1000000x32xf32, #tpu.memory_space<hbm>>
      tpu.wait_indirect_dma semaphore(%arg12 : memref<!tpu.dma_semaphore, #tpu.memory_space<semaphore_mem>>) src(%dma_wait3A_193 : memref<1000000x32xf32, #tpu.memory_space<hbm>>) dst(%dma_wait3A_188 : memref<400x32xf32, #tpu.memory_space<vmem>>)
      %dma_start3A_194 = arith.constant 0 : i32
      %dma_start3A_195 = tpu.memref_slice %arg4[%add3A_118, %dma_start3A_194] : memref<819200x32xf32, #tpu.memory_space<hbm>> -> memref<1600x32xf32, #tpu.memory_space<hbm>>
      %dma_start3A_196 = arith.constant 0 : i32
      %dma_start3A_197 = tpu.memref_slice %arg4[%add3A_118, %dma_start3A_196] : memref<819200x32xf32, #tpu.memory_space<hbm>> -> memref<1600x32xf32, #tpu.memory_space<hbm>>
      tpu.enqueue_dma source(%arg8 : memref<1600x32xf32, #tpu.memory_space<vmem>>) target(%dma_start3A_197 : memref<1600x32xf32, #tpu.memory_space<hbm>>) target_semaphore(%arg14 : memref<!tpu.dma_semaphore, #tpu.memory_space<semaphore_mem>>)
    }
    %scan3A_9 = arith.constant 8 : i32
    %add3A_10 = arith.constant 22400 : i32
    %add3A_11 = arith.addi %mul3A_2, %add3A_10 : i32
    %dma_wait3A = arith.constant 0 : i32
    %dma_wait3A_12 = tpu.memref_slice %arg4[%add3A_11, %dma_wait3A] : memref<819200x32xf32, #tpu.memory_space<hbm>> -> memref<1600x32xf32, #tpu.memory_space<hbm>>
    %dma_wait3A_13 = arith.constant 0 : i32
    %dma_wait3A_14 = tpu.memref_slice %arg4[%add3A_11, %dma_wait3A_13] : memref<819200x32xf32, #tpu.memory_space<hbm>> -> memref<1600x32xf32, #tpu.memory_space<hbm>>
    tpu.wait_dma2 semaphore(%arg13 : memref<!tpu.dma_semaphore, #tpu.memory_space<semaphore_mem>>) src(%arg7 : memref<1600x32xf32, #tpu.memory_space<vmem>>) dst(%dma_wait3A_14 : memref<1600x32xf32, #tpu.memory_space<hbm>>)
    %add3A_15 = arith.constant 24000 : i32
    %add3A_16 = arith.addi %mul3A_2, %add3A_15 : i32
    %dma_wait3A_17 = arith.constant 0 : i32
    %dma_wait3A_18 = tpu.memref_slice %arg4[%add3A_16, %dma_wait3A_17] : memref<819200x32xf32, #tpu.memory_space<hbm>> -> memref<1600x32xf32, #tpu.memory_space<hbm>>
    %dma_wait3A_19 = arith.constant 0 : i32
    %dma_wait3A_20 = tpu.memref_slice %arg4[%add3A_16, %dma_wait3A_19] : memref<819200x32xf32, #tpu.memory_space<hbm>> -> memref<1600x32xf32, #tpu.memory_space<hbm>>
    tpu.wait_dma2 semaphore(%arg14 : memref<!tpu.dma_semaphore, #tpu.memory_space<semaphore_mem>>) src(%arg8 : memref<1600x32xf32, #tpu.memory_space<vmem>>) dst(%dma_wait3A_20 : memref<1600x32xf32, #tpu.memory_space<hbm>>)
    return
  }
}

</mosaic_0001>

<sc_bundles>
// kernel: kernel.3.cloned.1.call-start
scs
__scs_entry_jumppad:
0x0: {  	(pc) =	sbr.rel $0x88, $3  }
0x1: {  	(tag) =	ssettag $0x0;
	lr =	simm.s32 $0x1  }
0x2: {  	[smem:$0x3F9F] =	sst lr;
	_ =	strace $0xD0000000  }
0x3: {  	_ = 	snop  }
0x4: {  	_ = 	snop  }
0x5: {  	_ = 	snop  }
0x6: {  	_ = 	snop  }
0x7: {  	_ = 	snop  }
__scs_overlays_trampoline_lowered:
0x8: {  	[smem:$0x3FAE] =	sst s0  }
0x9: {  	[smem:$0x3FAF] =	sst s1  }
0xa: {  	[smem:$0x3FB0] =	sst s2  }
0xb: {  	[smem:$0x3FB1] =	sst s3  }
0xc: {  	[smem:$0x3FB2] =	sst s4  }
0xd: {  	[smem:$0x3FB3] =	sst s5  }
0xe: {  	[smem:$0x3FB4] =	sst s6  }
0xf: {  	[smem:$0x3FB5] =	sst s7  }
0x10: {  	[smem:$0x3FB6] =	sst s8  }
0x11: {  	[smem:$0x3FB7] =	sst s9;
	s0 =	simm.s32 @!p0 $0x0  }
0x12: {  	s1 =	sld [smem:$0x3F9D];
	s0 =	simm.s32 @p0 $0x1  }
0x13: {  	[smem:$0x3FB8] =	sst s0;
	s0 =	simm.s32 @!p1 $0x0  }
0x14: {  	s2 =	sld [smem:$0x3F9C];
	s0 =	simm.s32 @p1 $0x1  }
0x15: {  	[smem:$0x3FB9] =	sst s0;
	s0 =	simm.s32 @!p2 $0x0  }
0x16: {  	s3 =	sld [smem:$0x3FDB];
	s0 =	simm.s32 @p2 $0x1  }
0x17: {  	s4 =	simm.s32 $0x1BF5;
	[smem:$0x3FBB] =	sst s0  }
0x18: {  	s0 =	sld [smem:$0x3F9E];
	_ =	swait.ge [sflag:s4], $0x0  }
0x19: {  	s7 =	sld [smem:$0x3F9F]  }
0x1a: {  	s8 =	sadd.s32 $0xFFFFE003, lr  }
0x1b: {  	s9 =	sadd.s32 $0xFFFFFEF7, lr;
	s5 =	simm.s32 $0xFFFFFFFF;
	p2 =	slt.u32 s8, $0xFFFFF086  }
0x1c: {  	p1 =	slt.u32 s9, $0xF7A;
	s5 =	simm.s32 @!p2 $0x0  }
0x1d: {  	s5 =	simm.s32 @p1 $0x1;
	p0 =	seq.s32 s7, s2  }
0x1e: {  	s7 =	smul.u32 @!p0 $0xF7A, s2;
	p2 =	seq.s32 @!p0 s5, $0x0  }
0x1f: {  	s9 =	smul.u32 $0xF7A, s1;
	s8 =	simm.s32 @!p0 $0x1BF5;
	p2 =	por !p2, p0  }
0x20: {  	[sflag:s8] =	ssyncset.s32 @!p0 $0xFFFFF086;
	s6 =	sadd.s32 @!p0 s3, s7;
	s7 =	simm.s32 @!p0 $0x108  }
0x21: {  	s3 =	sadd.s32 s3, s9;
	s6 =	sadd.s32 @!p0 $0x88, s6;
	s7 =	simm.s32 @p2 $0x1082  }
0x22: {  	[simem:s7], [sflag:s8] =	dma.local @!p0 [hbm:s6], $0xF7A  }
0x23: {  	s9 =	sor.u32 $0xD0000000, s2;
	s6 =	simm.s32 $0x108;
	_ =	swait.ge @!p0 [sflag:s8], $0x0  }
0x24: {  	s3 =	sadd.s32 $0x88, s3;
	s6 =	simm.s32 @!p1 $0x1082;
	[sflag:s4] =	ssyncset.s32 $0xFFFFF086  }
0x25: {  	[simem:s6], [sflag:s4] =	dma.local [hbm:s3], $0xF7A  }
0x26: {  	[smem:$0x3F9F] =	sst s1;
	(tag) =	ssettag s2;
	_ =	strace s9  }
0x27: {  	s1 =	sld [smem:$0x3FAF]  }
0x28: {  	s2 =	sld [smem:$0x3FB0]  }
0x29: {  	s4 =	sld [smem:$0x3FB2]  }
0x2a: {  	p0 =	seq.s32 s5, $0x0;
	s5 =	sld [smem:$0x3FB3]  }
0x2b: {  	s6 =	sld [smem:$0x3FB4]  }
0x2c: {  	s7 =	sld [smem:$0x3FB5]  }
0x2d: {  	s3 =	simm.s32 $0x108;
	s8 =	sld [smem:$0x3FB6]  }
0x2e: {  	s3 =	simm.s32 @!p0 $0x1082;
	s9 =	sld [smem:$0x3FB7]  }
0x2f: {  	lr =	sadd.s32 s0, s3;
	s0 =	sld [smem:$0x3FAE]  }
0x30: {  	s3 =	sld [smem:$0x3FB1]  }
0x31: {  	[smem:$0x3FBA] =	sst s10  }
0x32: {  	s10 =	sld [smem:$0x3FB8];
	_ =	sdelay $0x3  }
0x33: {  	p0 =	seq.s32 s10, $0x1;
	s10 =	sld [smem:$0x3FBA];
	_ =	sdelay $0x3  }
0x34: {  	[smem:$0x3FBA] =	sst s10  }
0x35: {  	s10 =	sld [smem:$0x3FB9];
	_ =	sdelay $0x3  }
0x36: {  	p1 =	seq.s32 s10, $0x1;
	s10 =	sld [smem:$0x3FBA];
	_ =	sdelay $0x3  }
0x37: {  	[smem:$0x3FBA] =	sst s10  }
0x38: {  	s10 =	sld [smem:$0x3FBB]  }
0x39: {  	_ = 	snop;
	(pc) =	sbr.ind lr, $3  }
0x3a: {  	_ = 	snop  }
0x3b: {  	_ = 	snop  }
0x3c: {  	p2 =	seq.s32 s10, $0x1;
	s10 =	sld [smem:$0x3FBA]  }
0x3d: {  	_ =	shalt  }
0x3e: {  	_ =	shalt  }
0x3f: {  	_ =	shalt  }
0x40: {  	_ =	shalt  }
0x41: {  	_ =	shalt  }
0x42: {  	_ =	shalt  }
0x43: {  	_ =	shalt  }
0x44: {  	_ =	shalt  }
0x45: {  	_ =	shalt  }
0x46: {  	_ =	shalt  }
0x47: {  	_ =	shalt  }
0x48: {  	_ =	shalt  }
0x49: {  	_ =	shalt  }
0x4a: {  	_ =	shalt  }
0x4b: {  	_ =	shalt  }
0x4c: {  	_ =	shalt  }
0x4d: {  	_ =	shalt  }
0x4e: {  	_ =	shalt  }
0x4f: {  	_ =	shalt  }
0x50: {  	_ =	shalt  }
0x51: {  	_ =	shalt  }
0x52: {  	_ =	shalt  }
0x53: {  	_ =	shalt  }
0x54: {  	_ =	shalt  }
0x55: {  	_ =	shalt  }
0x56: {  	_ =	shalt  }
0x57: {  	_ =	shalt  }
0x58: {  	_ =	shalt  }
0x59: {  	_ =	shalt  }
0x5a: {  	_ =	shalt  }
0x5b: {  	_ =	shalt  }
0x5c: {  	_ =	shalt  }
0x5d: {  	_ =	shalt  }
0x5e: {  	_ =	shalt  }
0x5f: {  	_ =	shalt  }
0x60: {  	_ =	shalt  }
0x61: {  	_ =	shalt  }
0x62: {  	_ =	shalt  }
0x63: {  	_ =	shalt  }
0x64: {  	_ =	shalt  }
0x65: {  	_ =	shalt  }
0x66: {  	_ =	shalt  }
0x67: {  	_ =	shalt  }
0x68: {  	_ =	shalt  }
0x69: {  	_ =	shalt  }
0x6a: {  	_ =	shalt  }
0x6b: {  	_ =	shalt  }
0x6c: {  	_ =	shalt  }
0x6d: {  	_ =	shalt  }
0x6e: {  	_ =	shalt  }
0x6f: {  	_ =	shalt  }
0x70: {  	_ =	shalt  }
0x71: {  	_ =	shalt  }
0x72: {  	_ =	shalt  }
0x73: {  	_ =	shalt  }
0x74: {  	_ =	shalt  }
0x75: {  	_ =	shalt  }
0x76: {  	_ =	shalt  }
0x77: {  	_ =	shalt  }
0x78: {  	_ =	shalt  }
0x79: {  	_ =	shalt  }
0x7a: {  	_ =	shalt  }
0x7b: {  	_ =	shalt  }
0x7c: {  	_ =	shalt  }
0x7d: {  	_ =	shalt  }
0x7e: {  	_ =	shalt  }
0x7f: {  	_ =	shalt  }
0x80: {  	_ =	shalt  }
0x81: {  	_ =	shalt  }
0x82: {  	_ =	shalt  }
0x83: {  	_ =	shalt  }
0x84: {  	_ =	shalt  }
0x85: {  	_ =	shalt  }
0x86: {  	_ =	shalt  }
0x87: {  	_ =	shalt  }
.Lfunc_end0:
.L_simem_size_0:
called_computation.1_lowered:
.L_overlay_start_0:
0x88: {  	s2 =	sld [smem:$0x3FD9]  }
0x89: {  	s3 =	sld [smem:$0x3FFE];
	_ =	sdelay $0x1  }
0x8a: {  	s1 =	srdreg.scid  }
0x8b: {  	s0 =	sand.u32 $0x1, s1  }
0x8c: {  	s17 =	sshll.u32 s0, $0xA;
	s2 =	sadd.s32 s3, s2  }
0x8d: {  	s2 =	sadd.s32 s2, s17  }
0x8e: {  	[smem:$0x3FC6] =	sst s2  }
0x8f: {  	_ = 	snop  }
0x90: {  	s2 =	sld [smem:$0x3FD0];
	(tm) =	ssettm $0x1  }
0x91: {  	s18 =	sld [smem:$0x3FFB];
	_ =	sdelay $0x3  }
0x92: {  	_ =	strace s18  }
0x93: {  	s3 =	sld [smem:$0x3FFC];
	_ =	sdelay $0x3  }
0x94: {  	_ =	strace s3  }
0x95: {  	s3 =	sld [smem:$0x3FFD];
	_ =	sdelay $0x3  }
0x96: {  	_ =	strace s3  }
0x97: {  	_ =	strace $0x8FFFFFFF  }
0x98: {  	s19 =	sld [smem:$0x3FDB];
	_ =	sdelay $0x1  }
0x99: {  	s4 =	simm.s32 $_scs_section_size  }
0x9a: {  	s5 =	simm.s32 $_size__tile_overlayer_lowered;
	s6 =	simm.s32 $_tile_overlayer_lowered  }
0x9b: {  	s22 =	simm.s32 $0x1BFF;
	s21 =	sshll.u32 s6, $0x1;
	s3 =	sadd.s32 s4, s19  }
0x9c: {  	s7 =	simm.s32 $0x0;
	s20 =	sshll.u32 s5, $0x1;
	s5 =	sadd.s32 s21, s3  }
0x9d: {  	[timem:s7], [sflag:s22] =	dma.local [hbm:s5], s20  }
0x9e: {  	_ =	swait.ge [sflag:s22], s20  }
0x9f: {  	s4 =	ssub.s32 $0x0, s20;
	[sflag:s22] =	ssyncset.done $0x0  }
0xa0: {  	[sflag:s22] =	ssyncadd.s32 s4;
	_ =	sdelay $0x1  }
0xa1: {  	s23 =	simm.s32 $0x1B8B  }
0xa2: {  	_ =	swait.ge [sflag:s23], $0x1  }
0xa3: {  	[sflag:s23] =	ssyncset.done $0x0  }
0xa4: {  	s25 =	simm.s32 $0x1B8E;
	s24 =	sld [smem:$0x3FFE];
	[sflag:s23] =	ssyncadd.s32 $0xFFFFFFFF  }
0xa5: {  	s26 =	simm.s32 $execute0_lowered;
	[smem:$0x3FD2] =	sst s25  }
0xa6: {  	s5 =	sshll.u32 s26, $0x1;
	_ =	strace $0x80000046;
	[dreg:$0x1] =	wrdreg $0xFFFFFFFF  }
0xa7: {  	s28 =	simm.s32 $_size_execute0_lowered;
	s3 =	sadd.s32 s3, s5;
	[dreg:$0x0] =	wrdreg $0x0  }
0xa8: {  	s5 =	sshll.u32 s28, $0x1;
	[dreg:$0x2] =	wrdreg s3  }
0xa9: {  	[dreg:$0x3] =	wrdreg s5  }
0xaa: {  	[dreg:$0x4] =	wrdreg $0xC0  }
0xab: {  	_ =	task [dreg:s7], $0x5FFFF  }
0xac: {  	[dreg:$0x1] =	wrdreg $0xFFFFFFFF  }
0xad: {  	[dreg:$0x0] =	wrdreg $0x60  }
0xae: {  	[dreg:$0x2] =	wrdreg s24  }
0xaf: {  	[dreg:$0x3] =	wrdreg s2  }
0xb0: {  	[dreg:$0x4] =	wrdreg $0x9  }
0xb1: {  	_ =	task.clear_ibuf [dreg:s7], $0x5FFFF;
	_ =	strace $0x90000046  }
0xb2: {  	s29 =	simm.s32 $0x9;
	_ =	strace $0x80000048  }
0xb3: {  	_ =	swait.ge [sflag:s29], $0x1  }
0xb4: {  	[sflag:s29] =	ssyncadd.s32 $0xFFFFFFFF  }
0xb5: {  	_ =	strace $0x90000048  }
0xb6: {  	_ =	sfence  }
0xb7: {  	s30 =	sld [smem:$0x0];
	_ =	sdelay $0x2  }
0xb8: {  	s31 =	sshll.u32 s1, $0xD;
	s1 =	sshrl.u32 s1, $0x2  }
0xb9: {  	s3 =	sand.u32 $0x4000, s31;
	s1 =	sadd.s32 s1, s30  }
0xba: {  	s0 =	sor.u32 s3, s0;
	s1 =	sshll.u32 s1, $0x11  }
0xbb: {  	s0 =	sor.u32 s1, s0  }
0xbc: {  	s0 =	sadd.s32 $0x8F2B, s0  }
0xbd: {  	[sflag:s0] =	ssyncadd.remote.s32 $0x1  }
0xbe: {  	_ =	sfence.sel $0xFFFF  }
0xbf: {  	[dreg:$0x0] =	wrdreg $0xFFFFFFFF;
	(pc) =	sbr.abs _section_cstart, $3  }
0xc0: {  	[dreg:$0x1] =	wrdreg $0xFFFFFFFF  }
0xc1: {  	_ =	task.clear_ibuf [dreg:s7], $0x2FFFF;
	_ =	strace $0x9FFFFFFF  }
0xc2: {  	(tm) =	ssettm $0x7FFFFFFF  }
0xc3: {  	_ =	shalt  }
tec
execute0_lowered:
.L_overlay_start_1:
0x0: {  	(tag) =	ssettag $0x1  }
0x1: {  	s0 =	srdreg.scid;
	s1 =	rddreg [dreg:$0x0]  }
0x2: {  	s10 =	stileid.u32;
	s7 =	rddreg [dreg:$0x1]  }
0x3: {  	s29 =	simm.s32 $0x3E80;
	s30 =	simm.s32 $0x320;
	s31 =	simm.s32 $0x7080  }
0x4: {  	s12 =	simm.s32 $0x4B0;
	s13 =	simm.s32 $0xA280;
	s14 =	simm.s32 $0x640  }
0x5: {  	s15 =	simm.s32 $0x3;
	s16 =	simm.s32 $0x2;
	s17 =	simm.s32 $0xD480  }
0x6: {  	s18 =	simm.s32 $0x7D0;
	s19 =	simm.s32 $0x10680;
	s20 =	simm.s32 $0x960  }
0x7: {  	s21 =	simm.s32 $0x13880;
	s22 =	simm.s32 $0xAF0;
	s6 =	smul.u32 $0xC800, s10  }
0x8: {  	s0 =	sand.u32 $0x1, s0;
	s2 =	sshll.u32 s10, $0x1;
	s10 =	smul.u32 $0x32000, s10  }
0x9: {  	s28 =	simm.s32 $0x0;
	s3 =	sor.u32 s0, s2;
	s9 =	smul.u32 $0x6400, s0  }
0xa: {  	s2 =	simm.s32 $0x0;
	s8 =	ssub.s32 $0x2, s0;
	s0 =	smul.u32 $0x19000, s0  }
0xb: {  	s4 =	sadd.s32 $0xA00, s1;
	s5 =	smul.u32 $0x6400, s3;
	[smem:$0x7FF] =	sst s2  }
0xc: {  	s23 =	sshrl.u32 s8, $0x1;
	_ =	strace $0x80000047;
	[dreg:$0x5] =	wrdreg s29  }
0xd: {  	s3 =	sadd.s32 $0xF42E00, s1;
	s1 =	ssub.s32 s8, s23;
	[dreg:$0x6] =	wrdreg s30  }
0xe: {  	s24 =	sadd.s32 s9, s6;
	[dreg:$0x7] =	wrdreg s31;
	s23 =	simm.s32 $0x16A80  }
0xf: {  	s5 =	sshrl.u32 s5, $0x3;
	s9 =	sadd.s32 $0x640, s24;
	s1 =	smax.u32 s1, $0x1  }
0x10: {  	s5 =	sadd.s32 s4, s5;
	[dreg:$0x9] =	wrdreg s1;
	s11 =	sshll.u32 s9, $0x2  }
0x11: {  	s1 =	sadd.s32 $0xC80, s24;
	s26 =	sshrl.u32 s9, $0x3;
	s9 =	simm.s32 $0x1  }
0x12: {  	s24 =	simm.s32 $0x4;
	[dreg:$0x8] =	wrdreg s5;
	s25 =	sadd.s32 s11, s7  }
0x13: {  	s7 =	sadd.s32 s10, s7;
	s8 =	sadd.s32 s26, s4;
	s10 =	simm.s32 $0x190  }
0x14: {  	s11 =	simm.s32 $0xC80;
	[dreg:$0x3] =	wrdreg s25;
	s0 =	sadd.s32 s0, s7  }
0x15: {  	s26 =	simm.s32 $0x6;
	s25 =	simm.s32 $0x5;
	[dreg:$0x4] =	wrdreg s0  }
.LBB2_1:
0x16: {  	s0 =	rddreg [dreg:$0x8]  }
0x17: {  	[tilespmem:s2], [sflag:$0x1] =	stream.linear.gather [hbm4b:s0+s2], $0x640, $0x38;
	[tilespmem:$0x19C80] =	vst v63  }
0x18: {  	_ =	swait.ge [sflag:s9], $0x640  }
0x19: {  	p0 =	por $0x1, $0x1;
	[sflag:s9] =	ssyncset.done $0x0  }
0x1a: {  	s0 =	simm.s32 @!p0 $0x5;
	[sflag:s9] =	ssyncadd.s32 $0xFFFFF9C0  }
0x1b: {  	_ =	swait.ge @!p0 [sflag:s0], $0xC800  }
0x1c: {  	[sflag:s0] =	ssyncset.done @!p0 $0x0  }
0x1d: {  	s7 =	rddreg [dreg:$0x7];
	[sflag:s0] =	ssyncadd.s32 @!p0 $0xFFFF3800  }
0x1e: {  	[tilespmem:s11], [sflag:$0x3] =	stream.indirect.gather [hbm4b:s3+s10], $0x20, s2, s10, $0xb8;
	[tilespmem:$0x19C80] =	vst v63  }
0x1f: {  	s6 =	rddreg [dreg:$0x5]  }
0x20: {  	[tilespmem:s6], [sflag:$0x3] =	stream.indirect.gather [hbm4b:s3+s10], $0x20, s10, s10, $0xb8;
	[tilespmem:$0x19C80] =	vst v63  }
0x21: {  	s29 =	rddreg [dreg:$0x6]  }
0x22: {  	[tilespmem:s7], [sflag:$0x3] =	stream.indirect.gather [hbm4b:s3+s10], $0x20, s29, s10, $0xb8;
	[tilespmem:$0x19C80] =	vst v63  }
0x23: {  	_ = 	snop  }
0x24: {  	[tilespmem:s13], [sflag:$0x3] =	stream.indirect.gather [hbm4b:s3+s10], $0x20, s12, s10, $0xb8;
	[tilespmem:$0x19C80] =	vst v63  }
0x25: {  	_ = 	snop  }
0x26: {  	[tilespmem:s14], [sflag:$0x2] =	stream.linear.gather [hbm4b:s8+s2], $0x640, $0x38;
	[tilespmem:$0x19C80] =	vst v63  }
0x27: {  	_ =	swait.ge [sflag:s15], $0x3200  }
0x28: {  	[sflag:s15] =	ssyncset.done $0x0  }
0x29: {  	[sflag:s15] =	ssyncadd.s32 $0xFFFFCE00  }
0x2a: {  	_ =	swait.ge [sflag:s15], $0x3200  }
0x2b: {  	[sflag:s15] =	ssyncset.done $0x0  }
0x2c: {  	[sflag:s15] =	ssyncadd.s32 $0xFFFFCE00  }
0x2d: {  	_ =	swait.ge [sflag:s15], $0x3200  }
0x2e: {  	[sflag:s15] =	ssyncset.done $0x0  }
0x2f: {  	[sflag:s15] =	ssyncadd.s32 $0xFFFFCE00  }
0x30: {  	_ =	swait.ge [sflag:s15], $0x3200  }
0x31: {  	s7 =	rddreg [dreg:$0x4];
	[sflag:s15] =	ssyncset.done $0x0  }
0x32: {  	[sflag:s15] =	ssyncadd.s32 $0xFFFFCE00;
	s0 =	sadd.s32 $0x0, s7  }
0x33: {  	[hbm4b:s0+s2] =	stream.linear.scatter [tilespmem:s11], [sflag:$0x5], $0xC800, $0x38;
	[tilespmem:$0x19C80] =	vst v63  }
0x34: {  	_ =	swait.ge [sflag:s16], $0x640  }
0x35: {  	[sflag:s16] =	ssyncset.done $0x0  }
0x36: {  	s0 =	simm.s32 @!p0 $0x6;
	[sflag:s16] =	ssyncadd.s32 $0xFFFFF9C0  }
0x37: {  	_ =	swait.ge @!p0 [sflag:s0], $0xC800  }
0x38: {  	[sflag:s0] =	ssyncset.done @!p0 $0x0  }
0x39: {  	[sflag:s0] =	ssyncadd.s32 @!p0 $0xFFFF3800  }
0x3a: {  	[tilespmem:s17], [sflag:$0x4] =	stream.indirect.gather [hbm4b:s3+s10], $0x20, s14, s10, $0xb8;
	[tilespmem:$0x19C80] =	vst v63  }
0x3b: {  	_ = 	snop  }
0x3c: {  	[tilespmem:s19], [sflag:$0x4] =	stream.indirect.gather [hbm4b:s3+s10], $0x20, s18, s10, $0xb8;
	[tilespmem:$0x19C80] =	vst v63  }
0x3d: {  	p0 =	por $0x0, $0x0  }
0x3e: {  	[tilespmem:s21], [sflag:$0x4] =	stream.indirect.gather [hbm4b:s3+s10], $0x20, s20, s10, $0xb8;
	[tilespmem:$0x19C80] =	vst v63  }
0x3f: {  	s0 =	sshrl.u32 @!p0 s1, $0x3  }
0x40: {  	[tilespmem:s23], [sflag:$0x4] =	stream.indirect.gather [hbm4b:s3+s10], $0x20, s22, s10, $0xb8;
	[tilespmem:$0x19C80] =	vst v63  }
0x41: {  	s7 =	simm.s32 @!p0 $0x0;
	s0 =	sadd.s32 @!p0 s4, s0  }
0x42: {  	[tilespmem:s7], [sflag:$0x1] =	stream.linear.gather @!p0 [hbm4b:s0+s7], $0x640, $0x38;
	[tilespmem:$0x19C80] =	vst v63  }
0x43: {  	_ =	swait.ge [sflag:s24], $0x3200  }
0x44: {  	[sflag:s24] =	ssyncset.done $0x0  }
0x45: {  	[sflag:s24] =	ssyncadd.s32 $0xFFFFCE00  }
0x46: {  	_ =	swait.ge [sflag:s24], $0x3200  }
0x47: {  	[sflag:s24] =	ssyncset.done $0x0  }
0x48: {  	[sflag:s24] =	ssyncadd.s32 $0xFFFFCE00  }
0x49: {  	_ =	swait.ge [sflag:s24], $0x3200  }
0x4a: {  	[sflag:s24] =	ssyncset.done $0x0  }
0x4b: {  	[sflag:s24] =	ssyncadd.s32 $0xFFFFCE00  }
0x4c: {  	s30 =	sadd.s32 $0x190, s8;
	_ =	swait.ge [sflag:s24], $0x3200  }
0x4d: {  	s31 =	simm.s32 $0x0;
	s29 =	simm.s32 $0x3200;
	[sflag:s24] =	ssyncset.done $0x0  }
0x4e: {  	s7 =	smov.u32 s1;
	s0 =	rddreg [dreg:$0x3];
	[sflag:s24] =	ssyncadd.s32 $0xFFFFCE00  }
.LBB2_2:
0x4f: {  	s0 =	sadd.s32 s31, s0  }
0x50: {  	[hbm4b:s0+s2] =	stream.linear.scatter [tilespmem:s17], [sflag:$0x6], $0xC800, $0x38;
	[tilespmem:$0x19C80] =	vst v63  }
0x51: {  	s31 =	smov.u32 s29;
	_ =	swait.ge [sflag:s9], $0x640  }
0x52: {  	p1 =	seq.s32 s31, $0x0;
	[sflag:s9] =	ssyncset.done $0x0  }
0x53: {  	s0 =	simm.s32 @!p1 $0x5;
	[sflag:s9] =	ssyncadd.s32 $0xFFFFF9C0  }
0x54: {  	_ =	swait.ge @!p1 [sflag:s0], $0xC800  }
0x55: {  	[sflag:s0] =	ssyncset.done @!p1 $0x0  }
0x56: {  	s5 =	rddreg [dreg:$0x7];
	[sflag:s0] =	ssyncadd.s32 @!p1 $0xFFFF3800  }
0x57: {  	[tilespmem:s11], [sflag:$0x3] =	stream.indirect.gather [hbm4b:s3+s10], $0x20, s2, s10, $0xb8;
	[tilespmem:$0x19C80] =	vst v63  }
0x58: {  	s0 =	rddreg [dreg:$0x5]  }
0x59: {  	[tilespmem:s0], [sflag:$0x3] =	stream.indirect.gather [hbm4b:s3+s10], $0x20, s10, s10, $0xb8;
	[tilespmem:$0x19C80] =	vst v63  }
0x5a: {  	s6 =	rddreg [dreg:$0x6]  }
0x5b: {  	[tilespmem:s5], [sflag:$0x3] =	stream.indirect.gather [hbm4b:s3+s10], $0x20, s6, s10, $0xb8;
	[tilespmem:$0x19C80] =	vst v63  }
0x5c: {  	_ = 	snop  }
0x5d: {  	[tilespmem:s13], [sflag:$0x3] =	stream.indirect.gather [hbm4b:s3+s10], $0x20, s12, s10, $0xb8;
	[tilespmem:$0x19C80] =	vst v63  }
0x5e: {  	_ = 	snop  }
0x5f: {  	[tilespmem:s14], [sflag:$0x2] =	stream.linear.gather [hbm4b:s30+s2], $0x640, $0x38;
	[tilespmem:$0x19C80] =	vst v63  }
0x60: {  	_ =	swait.ge [sflag:s15], $0x3200  }
0x61: {  	[sflag:s15] =	ssyncset.done $0x0  }
0x62: {  	[sflag:s15] =	ssyncadd.s32 $0xFFFFCE00  }
0x63: {  	_ =	swait.ge [sflag:s15], $0x3200  }
0x64: {  	[sflag:s15] =	ssyncset.done $0x0  }
0x65: {  	[sflag:s15] =	ssyncadd.s32 $0xFFFFCE00  }
0x66: {  	_ =	swait.ge [sflag:s15], $0x3200  }
0x67: {  	[sflag:s15] =	ssyncset.done $0x0  }
0x68: {  	[sflag:s15] =	ssyncadd.s32 $0xFFFFCE00  }
0x69: {  	_ =	swait.ge [sflag:s15], $0x3200  }
0x6a: {  	s6 =	rddreg [dreg:$0x4];
	[sflag:s15] =	ssyncset.done $0x0  }
0x6b: {  	[sflag:s15] =	ssyncadd.s32 $0xFFFFCE00;
	s0 =	sadd.s32 s31, s6  }
0x6c: {  	[hbm4b:s0+s2] =	stream.linear.scatter [tilespmem:s11], [sflag:$0x5], $0xC800, $0x38;
	[tilespmem:$0x19C80] =	vst v63  }
0x6d: {  	_ =	swait.ge [sflag:s16], $0x640  }
0x6e: {  	[sflag:s16] =	ssyncset.done $0x0  }
0x6f: {  	s0 =	simm.s32 @!p1 $0x6;
	[sflag:s16] =	ssyncadd.s32 $0xFFFFF9C0  }
0x70: {  	_ =	swait.ge @!p1 [sflag:s0], $0xC800  }
0x71: {  	[sflag:s0] =	ssyncset.done @!p1 $0x0  }
0x72: {  	[sflag:s0] =	ssyncadd.s32 @!p1 $0xFFFF3800  }
0x73: {  	[tilespmem:s17], [sflag:$0x4] =	stream.indirect.gather [hbm4b:s3+s10], $0x20, s14, s10, $0xb8;
	[tilespmem:$0x19C80] =	vst v63  }
0x74: {  	_ = 	snop  }
0x75: {  	[tilespmem:s19], [sflag:$0x4] =	stream.indirect.gather [hbm4b:s3+s10], $0x20, s18, s10, $0xb8;
	[tilespmem:$0x19C80] =	vst v63  }
0x76: {  	s7 =	sadd.s32 $0xC80, s7;
	p1 =	seq.s32 s31, $0x15E00  }
0x77: {  	[tilespmem:s21], [sflag:$0x4] =	stream.indirect.gather [hbm4b:s3+s10], $0x20, s20, s10, $0xb8;
	[tilespmem:$0x19C80] =	vst v63  }
0x78: {  	s0 =	sshrl.u32 @!p1 s7, $0x3  }
0x79: {  	[tilespmem:s23], [sflag:$0x4] =	stream.indirect.gather [hbm4b:s3+s10], $0x20, s22, s10, $0xb8;
	[tilespmem:$0x19C80] =	vst v63  }
0x7a: {  	s5 =	simm.s32 @!p1 $0x0;
	s0 =	sadd.s32 @!p1 s4, s0  }
0x7b: {  	[tilespmem:s5], [sflag:$0x1] =	stream.linear.gather @!p1 [hbm4b:s0+s5], $0x640, $0x38;
	[tilespmem:$0x19C80] =	vst v63  }
0x7c: {  	_ =	swait.ge [sflag:s24], $0x3200  }
0x7d: {  	[sflag:s24] =	ssyncset.done $0x0  }
0x7e: {  	[sflag:s24] =	ssyncadd.s32 $0xFFFFCE00  }
0x7f: {  	_ =	swait.ge [sflag:s24], $0x3200  }
0x80: {  	[sflag:s24] =	ssyncset.done $0x0  }
0x81: {  	s29 =	sadd.s32 $0x3200, s29;
	[sflag:s24] =	ssyncadd.s32 $0xFFFFCE00  }
0x82: {  	p0 =	sne.s32 s29, $0x19000;
	_ =	swait.ge [sflag:s24], $0x3200  }
.Ltmp0:
0x83: {  	[sflag:s24] =	ssyncset.done $0x0;
	(pc) =	sbr.rel @p0 .LBB2_2-.Ltmp0, $4  }
0x84: {  	[sflag:s24] =	ssyncadd.s32 $0xFFFFCE00  }
0x85: {  	_ =	swait.ge [sflag:s24], $0x3200  }
0x86: {  	[sflag:s24] =	ssyncset.done $0x0  }
0x87: {  	s30 =	sadd.s32 $0x190, s30;
	s0 =	rddreg [dreg:$0x3];
	[sflag:s24] =	ssyncadd.s32 $0xFFFFCE00  }
0x88: {  	s0 =	sadd.s32 s31, s0  }
0x89: {  	[hbm4b:s0+s2] =	stream.linear.scatter [tilespmem:s17], [sflag:$0x6], $0xC800, $0x38;
	[tilespmem:$0x19C80] =	vst v63  }
0x8a: {  	_ =	swait.ge [sflag:s25], $0xC800  }
0x8b: {  	[sflag:s25] =	ssyncset.done $0x0  }
0x8c: {  	[sflag:s25] =	ssyncadd.s32 $0xFFFF3800  }
0x8d: {  	_ =	swait.ge [sflag:s26], $0xC800  }
0x8e: {  	s28 =	sadd.s32 $0x1, s28;
	s31 =	rddreg [dreg:$0x9]  }
0x8f: {  	p0 =	sne.s32 s28, s31  }
.Ltmp1:
0x90: {  	_ = 	snop;
	(pc) =	sbr.rel @p0 .LBB2_1-.Ltmp1, $3  }
0x91: {  	_ =	sdelay $0x1  }
0x92: {  	[sflag:s26] =	ssyncset.done $0x0  }
0x93: {  	[sflag:s26] =	ssyncadd.s32 $0xFFFF3800  }
0x94: {  	_ =	sfence.sel $0x180000  }
0x95: {  	[bflag:$0x0] =	sbarrier.arrive $0xFFFF  }
0x96: {  	_ =	strace $0x90000047  }
0x97: {  	s0 =	stileid.u32;
	[bflag:$0x2] =	sbarrier.arrive $0xFFFF  }
0x98: {  	p0 =	sne.s32 s0, $0x0;
	s0 =	rddreg [dreg:$0x2]  }
0x99: {  	s0 =	sadd.s32 @!p0 $0x100000, s0  }
0x9a: {  	[sflag:s0] =	ssyncadd.tile.s32 @!p0 $0x1;
	_ =	shalt  }
.Lfunc_end2:
_tile_overlayer_lowered:
.L_overlay_start_2:
0x9b: {  	(tag) =	ssettag $0x2  }
0x9c: {  	s0 =	rddreg [dreg:$0x0];
	s2 =	stileid.u32  }
0x9d: {  	s1 =	rddreg [dreg:$0x1];
	p0 =	sne.s32 s2, $0x0  }
0x9e: {  	s3 =	rddreg [dreg:$0x2];
	[bflag:$0x3] =	sbarrier.arrive $0xFFFF;
	s2 =	simm.s32 @!p0 $0x1C07  }
0x9f: {  	[timem:s3], [sflag:s2] =	dma.local @!p0 [hbm:s0], s1  }
0xa0: {  	s0 =	simm.s32 @!p0 $0x7  }
0xa1: {  	_ =	swait.ge @!p0 [sflag:s0], s1  }
0xa2: {  	s1 =	ssub.s32 @!p0 $0x0, s1;
	[sflag:s0] =	ssyncset.done @!p0 $0x0  }
0xa3: {  	[sflag:s0] =	ssyncadd.s32 @!p0 s1  }
0xa4: {  	[bflag:$0x3] =	sbarrier.arrive $0xFFFF  }
0xa5: {  	_ =	shalt  }

// kernel: sparse-core-data-format-call.cloned.1.call-start
scs
called_computation_lowered:
.L_overlay_start_0:
0x0: {  	s2 =	sld [smem:$0x3FD9]  }
0x1: {  	s3 =	sld [smem:$0x3FFE];
	_ =	sdelay $0x1  }
0x2: {  	s1 =	srdreg.scid  }
0x3: {  	s0 =	sand.u32 $0x1, s1  }
0x4: {  	s18 =	sshll.u32 s0, $0xA;
	s2 =	sadd.s32 s3, s2  }
0x5: {  	s2 =	sadd.s32 s2, s18  }
0x6: {  	[smem:$0x3FC6] =	sst s2  }
0x7: {  	_ = 	snop  }
0x8: {  	s2 =	sld [smem:$0x3FD0];
	(tm) =	ssettm $0x1  }
0x9: {  	s19 =	sld [smem:$0x3FFB];
	_ =	sdelay $0x3  }
0xa: {  	_ =	strace s19  }
0xb: {  	s3 =	sld [smem:$0x3FFC];
	_ =	sdelay $0x3  }
0xc: {  	_ =	strace s3  }
0xd: {  	s3 =	sld [smem:$0x3FFD];
	_ =	sdelay $0x3  }
0xe: {  	_ =	strace s3  }
0xf: {  	_ =	strace $0x8FFFFFFF  }
0x10: {  	s20 =	sld [smem:$0x3FDB];
	_ =	sdelay $0x1  }
0x11: {  	s4 =	simm.s32 $_scs_section_size  }
0x12: {  	s5 =	simm.s32 $_size__tile_overlayer_lowered;
	s6 =	simm.s32 $_tile_overlayer_lowered  }
0x13: {  	s23 =	simm.s32 $0x1BFF;
	s22 =	sshll.u32 s6, $0x1;
	s3 =	sadd.s32 s4, s20  }
0x14: {  	s7 =	simm.s32 $0x0;
	s21 =	sshll.u32 s5, $0x1;
	s5 =	sadd.s32 s22, s3  }
0x15: {  	[timem:s7], [sflag:s23] =	dma.local [hbm:s5], s21  }
0x16: {  	_ =	swait.ge [sflag:s23], s21  }
0x17: {  	s4 =	ssub.s32 $0x0, s21;
	[sflag:s23] =	ssyncset.done $0x0  }
0x18: {  	[sflag:s23] =	ssyncadd.s32 s4;
	_ =	sdelay $0x1  }
0x19: {  	s24 =	simm.s32 $0x1B8B  }
0x1a: {  	_ =	swait.ge [sflag:s24], $0x1  }
0x1b: {  	[sflag:s24] =	ssyncset.done $0x0  }
0x1c: {  	s26 =	simm.s32 $0x1B8E;
	s25 =	sld [smem:$0x3FFE];
	[sflag:s24] =	ssyncadd.s32 $0xFFFFFFFF  }
0x1d: {  	s27 =	simm.s32 $execute0_lowered;
	[smem:$0x3FD2] =	sst s26  }
0x1e: {  	s5 =	sshll.u32 s27, $0x1;
	_ =	strace $0x80000049;
	[dreg:$0x1] =	wrdreg $0xFFFFFFFF  }
0x1f: {  	s28 =	simm.s32 $_size_execute0_lowered;
	s3 =	sadd.s32 s3, s5;
	[dreg:$0x0] =	wrdreg $0x0  }
0x20: {  	s5 =	sshll.u32 s28, $0x1;
	[dreg:$0x2] =	wrdreg s3  }
0x21: {  	[dreg:$0x3] =	wrdreg s5  }
0x22: {  	[dreg:$0x4] =	wrdreg $0xC0  }
0x23: {  	_ =	task [dreg:s7], $0x5FFFF  }
0x24: {  	[dreg:$0x1] =	wrdreg $0xFFFFFFFF  }
0x25: {  	[dreg:$0x0] =	wrdreg $0x60  }
0x26: {  	[dreg:$0x2] =	wrdreg s25  }
0x27: {  	[dreg:$0x3] =	wrdreg s2  }
0x28: {  	[dreg:$0x4] =	wrdreg $0x9  }
0x29: {  	_ =	task.clear_ibuf [dreg:s7], $0x5FFFF;
	_ =	strace $0x90000049  }
0x2a: {  	s29 =	simm.s32 $0x9;
	_ =	strace $0x8000004B  }
0x2b: {  	_ =	swait.ge [sflag:s29], $0x1  }
0x2c: {  	[sflag:s29] =	ssyncadd.s32 $0xFFFFFFFF  }
0x2d: {  	_ =	strace $0x9000004B  }
0x2e: {  	_ =	sfence  }
0x2f: {  	s30 =	sld [smem:$0x0];
	_ =	sdelay $0x2  }
0x30: {  	s31 =	sshll.u32 s1, $0xD;
	s1 =	sshrl.u32 s1, $0x2  }
0x31: {  	s3 =	sand.u32 $0x4000, s31;
	s1 =	sadd.s32 s1, s30  }
0x32: {  	s0 =	sor.u32 s3, s0;
	s1 =	sshll.u32 s1, $0x11  }
0x33: {  	s0 =	sor.u32 s1, s0  }
0x34: {  	s0 =	sadd.s32 $0x8F2B, s0  }
0x35: {  	[sflag:s0] =	ssyncadd.remote.s32 $0x1  }
0x36: {  	_ =	sfence.sel $0xFFFF  }
0x37: {  	[dreg:$0x0] =	wrdreg $0xFFFFFFFF;
	(pc) =	sbr.abs _section_cstart, $3  }
0x38: {  	[dreg:$0x1] =	wrdreg $0xFFFFFFFF  }
0x39: {  	_ =	task.clear_ibuf [dreg:s7], $0x2FFFF;
	_ =	strace $0x9FFFFFFF  }
0x3a: {  	(tm) =	ssettm $0x7FFFFFFF  }
0x3b: {  	_ =	shalt  }
tec
execute0_lowered:
.L_overlay_start_1:
0x0: {  	(tag) =	ssettag $0x1  }
0x1: {  	s0 =	srdreg.scid  }
0x2: {  	s1 =	sshll.u32 s0, $0x4  }
0x3: {  	s0 =	stileid.u32;
	s1 =	sand.u32 $0x10, s1  }
0x4: {  	s1 =	sor.u32 s0, s1  }
0x5: {  	s6 =	rddreg [dreg:$0x0];
	s4 =	simm.s32 $0x1;
	s2 =	sshll.u32 s1, $0x7  }
0x6: {  	s7 =	simm.s32 $0x2;
	s12 =	simm.s32 $0x0;
	s1 =	ssub.s32 $0x1000, s2  }
0x7: {  	s8 =	simm.s32 $0x8000;
	s13 =	simm.s32 $0x0;
	s3 =	sand.u32 $0xF80, s1  }
0x8: {  	s9 =	simm.s32 $0x0;
	s5 =	sshrl.u32 s1, $0xC;
	p0 =	sne.s32 s3, $0x0  }
.Ltmp0:
0x9: {  	s1 =	rddreg [dreg:$0x2];
	s4 =	simm.s32 @!p0 $0x0;
	(pc) =	sbr.rel .LBB1_1-.Ltmp0, $4  }
0xa: {  	s11 =	simm.s32 $0x0;
	s3 =	rddreg [dreg:$0x1];
	s5 =	sadd.s32 s4, s5  }
0xb: {  	_ =	strace $0x8000004A;
	s4 =	simm.s32 $0x1;
	s5 =	smul.u32 $0xC8, s5  }
0xc: {  	s6 =	sadd.s32 $0xA00, s6;
	s10 =	smov.u32 s2;
	[sflag:s4] =	ssyncpa.u1 $0x0  }
0xd: {  	p0 =	por $0x0, $0x0;
	[sflag:s7] =	ssyncpa.u1 $0x0;
	s7 =	sor.u32 $0x1, s5  }
.LBB1_4:
0xe: {  	s16 =	sshll.u32 s13, $0x3;
	s17 =	sand.u32 $0x78, s13  }
0xf: {  	s30 =	sand.u32 $0x3E00, s13;
	s12 =	sshll.u32 s12, $0xE;
	s16 =	sand.u32 $0xC00, s16  }
0x10: {  	s31 =	sand.u32 $0x7, s13;
	s16 =	sor.u32 s17, s16;
	s17 =	sadd.s32 s3, s30  }
0x11: {  	s13 =	sshll.u32 s31, $0x12;
	s16 =	sshrl.u32 s16, $0x3;
	s12 =	sadd.s32 s12, s17  }
0x12: {  	[tilespmem:s15+$0x0 ss:$0x81] =	vst.msk $0xffff, v0;
	s13 =	sor.u32 $0x400, s13;
	s12 =	sadd.s32 s16, s12  }
0x13: {  	[hbm4b:s12+s13] =	stream.strided.scatter [tilespmem:s14], [sflag:$0x2], $0x1000, s8, s13, $0x20;
	[tilespmem:$0x4040] =	vst v63  }
.LBB1_5:
0x14: {  	s14 =	sadd.s32 $0x1, s9  }
0x15: {  	s12 =	sadd.s32 $0x1000, s10;
	s16 =	smov.u32 s10;
	p2 =	sgt.s32 s14, $0xC7  }
0x16: {  	s16 =	smov.u32 @p2 s12  }
0x17: {  	s14 =	simm.s32 @p2 $0x0;
	p2 =	sgt.s32 s16, $0xFFF  }
0x18: {  	s16 =	smov.u32 @p2 s2;
	p2 =	sne.s32 s11, s7  }
.Ltmp1:
0x19: {  	p1 =	slt.u32 s11, $0x2;
	(pc) =	sbr.rel @!p2 .LBB1_6-.Ltmp1, $4  }
0x1a: {  	s15 =	simm.s32 @!p1 $0x2  }
0x1b: {  	s13 =	smov.u32 s10;
	p0 =	por !p0, !p0;
	_ =	swait.ge @!p1 [sflag:s15], $0x1000  }
0x1c: {  	s12 =	smov.u32 s9;
	[sflag:s15] =	ssyncset.done @!p1 $0x0;
	s9 =	smov.u32 s14  }
0x1d: {  	s11 =	sadd.s32 $0x1, s11;
	[sflag:s15] =	ssyncadd.s32 @!p1 $0xFFFFF000;
	s10 =	smov.u32 s16  }
.LBB1_1:
0x1e: {  	p1 =	sge.u32 s11, s5  }
0x1f: {  	s14 =	sand.u32 @!p1 $0x1FFFFFF, s9  }
0x20: {  	s15 =	smulhi.u32 @!p1 $0x147AE15, s14;
	_ =	sdelay $0x1  }
0x21: {  	s15 =	smul.u32 @!p1 $0xC8, s15  }
0x22: {  	s16 =	sxor.u32 @!p1 $0xFFFFFFFF, s11;
	s17 =	smul.u32 @!p1 $0xC80, s10  }
0x23: {  	s31 =	sadd.s32 $0xFFFFFFFF, s11;
	s16 =	sshll.u32 @!p1 s16, $0xC;
	s14 =	ssub.s32 @!p1 s14, s15  }
0x24: {  	s15 =	sand.u32 @!p1 $0x1000, s16;
	s16 =	sadd.s32 @!p1 s6, s17;
	s14 =	sshll.u32 @!p1 s14, $0x4  }
0x25: {  	s17 =	simm.s32 @!p1 $0x6400;
	s14 =	sadd.s32 @!p1 s14, s16;
	s16 =	simm.s32 @!p1 $0x20  }
0x26: {  	[tilespmem:s15], [sflag:$0x1] =	stream.strided.gather @!p1 [hbm4b:s14+s16], $0x1000, s17, s16, $0x38;
	[tilespmem:$0x4040] =	vst v63  }
0x27: {  	p1 =	sge.u32 s31, s5  }
.Ltmp2:
0x28: {  	_ = 	snop;
	(pc) =	sbr.rel @p1 .LBB1_5-.Ltmp2, $1  }
0x29: {  	_ =	sdelay $0x3  }
0x2a: {  	s14 =	simm.s32 $0x1  }
0x2b: {  	_ =	swait.ge [sflag:s4], $0x1000;
	s14 =	simm.s32 @!p0 $0x0  }
0x2c: {  	[sflag:s4] =	ssyncset.done $0x0;
	s15 =	sshll.u32 s14, $0xC  }
0x2d: {  	[sflag:s4] =	ssyncadd.s32 $0xFFFFF000;
	s18 =	sor.u32 $0x10, s15  }
0x2e: {  	s14 =	smul.u32 $0x4080, s14;
	v1 =	vld [tilespmem:s18+$0x0]  }
0x2f: {  	s30 =	sand.u32 $0x1, s11;
	v0 =	vld [tilespmem:s18+$0xFFFFFFF0]  }
0x30: {  	s15 =	smul.u32 $0x4080, s30;
	s14 =	sshrl.u32 s14, $0x2  }
0x31: {  	s16 =	sor.u32 $0x2000, s14  }
0x32: {  	s31 =	sshrl.u32 s15, $0x2;
	s15 =	sadd.s32 $0x0, s16  }
0x33: {  	s17 =	simm.s32 $0x4;
	s18 =	sadd.s32 $0x20, s18;
	s14 =	sor.u32 $0x2000, s31;
	[tilespmem:s15+$0x810 ss:$0x81] =	vst.msk $0xffff, v1  }
.LBB1_3:
0x34: {  	v1 =	vld [tilespmem:s18+$0x0];
	p1 =	sne.s32 s17, $0x1FC;
	[tilespmem:s15+$0x0 ss:$0x81] =	vst.msk $0xffff, v0;
	s15 =	smov.u32 s17;
	s17 =	sadd.s32 $0x4, s17  }
.Ltmp3:
0x35: {  	v0 =	vld [tilespmem:s18+$0xFFFFFFF0];
	(pc) =	sbr.rel @p1 .LBB1_3-.Ltmp3, $4  }
0x36: {  	_ = 	snop  }
0x37: {  	s15 =	sshra.s32 s15, $0x2  }
0x38: {  	s15 =	sadd.s32 s15, s16  }
0x39: {  	s18 =	sadd.s32 $0x20, s18;
	[tilespmem:s15+$0x810 ss:$0x81] =	vst.msk $0xffff, v1  }
.Ltmp4:
0x3a: {  	_ = 	snop;
	(pc) =	sbr.rel .LBB1_4-.Ltmp4, $1  }
0x3b: {  	_ =	sdelay $0x3  }
.LBB1_6:
0x3c: {  	_ =	sfence.sel $0x180000  }
0x3d: {  	s2 =	simm.s32 $0x1;
	[bflag:$0x0] =	sbarrier.arrive $0xFFFF  }
0x3e: {  	s31 =	simm.s32 $0x2;
	[sflag:s2] =	ssyncpa.u1 $0x1  }
0x3f: {  	[sflag:s31] =	ssyncpa.u1 $0x1  }
0x40: {  	p0 =	sne.s32 s0, $0x0;
	_ =	strace $0x9000004A  }
0x41: {  	s0 =	sadd.s32 @!p0 $0x100000, s1;
	[bflag:$0x2] =	sbarrier.arrive $0xFFFF  }
0x42: {  	[sflag:s0] =	ssyncadd.tile.s32 @!p0 $0x1;
	_ =	shalt  }
.Lfunc_end1:
_tile_overlayer_lowered:
.L_overlay_start_2:
0x43: {  	(tag) =	ssettag $0x2  }
0x44: {  	s0 =	rddreg [dreg:$0x0];
	s2 =	stileid.u32  }
0x45: {  	s1 =	rddreg [dreg:$0x1];
	p0 =	sne.s32 s2, $0x0  }
0x46: {  	s3 =	rddreg [dreg:$0x2];
	[bflag:$0x3] =	sbarrier.arrive $0xFFFF;
	s2 =	simm.s32 @!p0 $0x1C01  }
0x47: {  	[timem:s3], [sflag:s2] =	dma.local @!p0 [hbm:s0], s1  }
0x48: {  	s0 =	simm.s32 @!p0 $0x1  }
0x49: {  	_ =	swait.ge @!p0 [sflag:s0], s1  }
0x4a: {  	s1 =	ssub.s32 @!p0 $0x0, s1;
	[sflag:s0] =	ssyncset.done @!p0 $0x0  }
0x4b: {  	[sflag:s0] =	ssyncadd.s32 @!p0 s1  }
0x4c: {  	[bflag:$0x3] =	sbarrier.arrive $0xFFFF  }
0x4d: {  	_ =	shalt  }

</sc_bundles>
